<compile_context>
chip_gen: v7x
topology: tpu7x:2x2x1
jax: 0.10.2.dev20260603
libtpu: 0.0.44.dev20260713+nightly
codegen_flags: <defaults>
</compile_context>

<pallas_src>
import functools

import jax
import jax.numpy as jnp
from jax import lax
from jax.experimental import pallas as pl
from jax.experimental.pallas import tpu as pltpu
from jax.experimental.pallas import tpu_sc as plsc

N = 10000
NP = 10240
D = 128
E = 320000
C = 3

NC = 2
NS = 16
NW = NC * NS
EPW = E // NW
K = 80
NCHUNK = EPW // K
RPT = NP // NS
DEG_W = 16

_mesh = functools.partial(
    plsc.VectorSubcoreMesh, core_axis_name="c", subcore_axis_name="s",
    num_cores=NC, num_subcores=NS)


EPP = 10240
NCH_A = EPP // K
NBUF = 3


def _aggB_body(t3_hbm, packed_hbm, zero_hbm, out_hbm,
               packed_v, src_b, dst_b, rows_v, acc_sp,
               gsem0, gsem1, gsem2, ssem0, ssem1, ssem2):
    c = lax.axis_index("c")
    s = lax.axis_index("s")
    wid = c * NS + s
    gsems = (gsem0, gsem1, gsem2)
    ssems = (ssem0, ssem1, ssem2)

    def unpack(ci, b):
        for j5 in range(K // 16):
            v = packed_v[pl.ds(ci * K + j5 * 16, 16)]
            src_b[b, pl.ds(j5 * 16, 16)] = jnp.bitwise_and(v, 16383)
            dst_b[b, pl.ds(j5 * 16, 16)] = jnp.right_shift(v, 14)

    for ch in range(C):
        t_hbm = t3_hbm.at[ch if t3_hbm.shape[0] == C else 0]

        def gath(ci, b):
            pltpu.async_copy(t_hbm.at[src_b.at[b]], rows_v.at[b], gsems[b])

        def gath_wait(ci, b):
            pltpu.make_async_copy(t_hbm.at[src_b.at[b]], rows_v.at[b],
                                  gsems[b]).wait()

        def scat(ci, b):
            pltpu.async_copy(rows_v.at[b], acc_sp.at[dst_b.at[b]],
                             ssems[b], add=True)

        def scat_wait(ci, b):
            pltpu.make_async_copy(rows_v.at[b], acc_sp.at[dst_b.at[b]],
                                  ssems[b]).wait()

        pltpu.sync_copy(packed_hbm.at[ch, wid], packed_v)
        unpack(0, 0)
        gath(0, 0)
        unpack(1, 1)
        gath(1, 1)
        pltpu.sync_copy(zero_hbm.at[pl.ds(s * RPT, RPT)],
                        acc_sp.at[pl.ds(s * RPT, RPT)])
        plsc.subcore_barrier()

        @pl.loop(0, (NCH_A - 2) // NBUF)
        def _trip(j):
            for b in range(NBUF):
                ci = 3 * j + b
                gath_wait(ci, b)
                scat(ci, b)
                if b == 0:
                    @pl.when(j >= 1)
                    def _():
                        scat_wait(ci - 1, 2)
                else:
                    scat_wait(ci - 1, b - 1)
                unpack(ci + 2, (b + 2) % 3)
                gath(ci + 2, (b + 2) % 3)

        gath_wait(126, 0)
        scat(126, 0)
        scat_wait(125, 2)
        gath_wait(127, 1)
        scat(127, 1)
        scat_wait(126, 0)
        scat_wait(127, 1)

        plsc.subcore_barrier()
        pltpu.sync_copy(acc_sp.at[pl.ds(s * RPT, RPT)],
                        out_hbm.at[ch, c, pl.ds(s * RPT, RPT)])


@jax.jit
def _aggB(t3, packed_all, zero_agg):
    return pl.kernel(
        _aggB_body,
        out_type=jax.ShapeDtypeStruct((C, NC, NP, D), jnp.float32),
        mesh=_mesh(),
        scratch_types=[
            pltpu.VMEM((EPP,), jnp.int32),
            pltpu.VMEM((NBUF, K), jnp.int32),
            pltpu.VMEM((NBUF, K), jnp.int32),
            pltpu.VMEM((NBUF, K, D), jnp.float32),
            pltpu.VMEM_SHARED((NP, D), jnp.float32),
            pltpu.SemaphoreType.DMA,
            pltpu.SemaphoreType.DMA,
            pltpu.SemaphoreType.DMA,
            pltpu.SemaphoreType.DMA,
            pltpu.SemaphoreType.DMA,
            pltpu.SemaphoreType.DMA,
        ],
    )(t3, packed_all, zero_agg)


def _deg_body(dst_hbm, out_hbm, dst_v, hist):
    c = lax.axis_index("c")
    s = lax.axis_index("s")
    wid = c * NS + s
    ones = jnp.ones((16,), jnp.float32)
    for ch in range(C):
        pltpu.sync_copy(dst_hbm.at[ch, wid], dst_v)

        @pl.loop(0, NP // 16)
        def _z(i):
            hist[pl.ds(i * 16, 16)] = jnp.zeros((16,), jnp.float32)

        @pl.loop(0, NCHUNK)
        def _acc(i):
            for j in range(K // 16):
                plsc.addupdate_scatter(
                    hist, [dst_v[i, pl.ds(j * 16, 16)]], ones)

        pltpu.sync_copy(hist, out_hbm.at[pl.ds((ch * NW + wid) * NP, NP)])


@jax.jit
def _deg(dst_all):
    return pl.kernel(
        _deg_body,
        out_type=jax.ShapeDtypeStruct((C * NW * NP,), jnp.float32),
        mesh=_mesh(),
        compiler_params=pltpu.CompilerParams(needs_layout_passes=False),
        scratch_types=[
            pltpu.VMEM((NCHUNK, K), jnp.int32),
            pltpu.VMEM((NP,), jnp.float32),
        ],
    )(dst_all)


_BM = 1024


def _dred_body(d_ref, o_ref):
    deg = jnp.sum(d_ref[0], axis=0)
    inv = 1.0 / jnp.maximum(deg, 1.0)
    o_ref[0] = jnp.broadcast_to(inv[:, None], (_BM, DEG_W))


@jax.jit
def _dred(degs):
    return pl.pallas_call(
        _dred_body,
        grid=(C, NP // _BM),
        in_specs=[pl.BlockSpec((1, NW, _BM), lambda ch, i: (ch, 0, i))],
        out_specs=pl.BlockSpec((1, _BM, DEG_W), lambda ch, i: (ch, i, 0)),
        out_shape=jax.ShapeDtypeStruct((C, NP, DEG_W), jnp.float32),
    )(degs)


def _mmf_body(p0_ref, p1_ref, dq_ref, w_ref, o_ref):
    inv = dq_ref[0, :, 0:1]
    a = jnp.dot(p0_ref[0, 0] + p1_ref[0, 0], w_ref[0],
                preferred_element_type=jnp.float32)
    o_ref[0] = jnp.maximum(a * inv, 0.0)


@jax.jit
def _mmf3(p_all, degq, w3):
    return pl.pallas_call(
        _mmf_body,
        grid=(C, NP // _BM),
        in_specs=[
            pl.BlockSpec((1, 1, _BM, D), lambda ch, i: (ch, 0, i, 0)),
            pl.BlockSpec((1, 1, _BM, D), lambda ch, i: (ch, 1, i, 0)),
            pl.BlockSpec((1, _BM, DEG_W), lambda ch, i: (ch, i, 0)),
            pl.BlockSpec((1, D, D), lambda ch, i: (ch, 0, 0)),
        ],
        out_specs=pl.BlockSpec((1, _BM, D), lambda ch, i: (ch, i, 0)),
        out_shape=jax.ShapeDtypeStruct((C, NP, D), jnp.float32),
    )(p_all, p_all, degq, w3)


def _att_body(q0a, q0b, q1a, q1b, q2a, q2b, dq0, dq1, dq2,
              w0_ref, w1_ref, w2_ref, att_ref, o_ref):
    hs = []
    ss = []
    for idx, (qa, qb, dq, wr) in enumerate(
            ((q0a, q0b, dq0, w0_ref), (q1a, q1b, dq1, w1_ref),
             (q2a, q2b, dq2, w2_ref))):
        a = jnp.dot(qa[0, 0] + qb[0, 0], wr[...],
                    preferred_element_type=jnp.float32)
        h = jnp.maximum(a * dq[0, :, 0:1], 0.0)
        hs.append(h)
        ss.append(jnp.sum(h * att_ref[idx:idx + 1, :], axis=-1,
                          keepdims=True))
    m = jnp.maximum(jnp.maximum(ss[0], ss[1]), ss[2])
    es = [jnp.exp(sc - m) for sc in ss]
    denom = es[0] + es[1] + es[2]
    o_ref[...] = (es[0] * hs[0] + es[1] * hs[1] + es[2] * hs[2]) / denom


@jax.jit
def _att(q_all, degq, w0, w1, w2, att2):
    qspec = lambda ch, part: pl.BlockSpec(
        (1, 1, _BM, D), lambda i, ch=ch, part=part: (ch, part, i, 0))
    dspec = lambda ch: pl.BlockSpec(
        (1, _BM, DEG_W), lambda i, ch=ch: (ch, i, 0))
    wspec = pl.BlockSpec((D, D), lambda i: (0, 0))
    return pl.pallas_call(
        _att_body,
        grid=(NP // _BM,),
        in_specs=[qspec(0, 0), qspec(0, 1), qspec(1, 0), qspec(1, 1),
                  qspec(2, 0), qspec(2, 1),
                  dspec(0), dspec(1), dspec(2), wspec, wspec, wspec,
                  pl.BlockSpec((C, D), lambda i: (0, 0))],
        out_specs=pl.BlockSpec((_BM, D), lambda i: (i, 0)),
        out_shape=jax.ShapeDtypeStruct((N, D), jnp.float32),
    )(q_all, q_all, q_all, q_all, q_all, q_all,
      degq, degq, degq, w0, w1, w2, att2)


def kernel(x, edge_index_0, edge_index_1, edge_index_2,
           W0_0, W0_1, W1_0, W1_1, W2_0, W2_1, att):
    eis = (edge_index_0, edge_index_1, edge_index_2)
    dsts = [ei[1].reshape(NW, NCHUNK, K) for ei in eis]
    dst_all = jnp.stack(dsts)

    npad = NW * EPP - E
    pad_idx = (N + (jnp.arange(npad, dtype=jnp.int32) % (NP - N))).astype(jnp.int32)
    packed = []
    for ei in eis:
        sp = jnp.concatenate([ei[0], pad_idx])
        dp = jnp.concatenate([ei[1], pad_idx])
        packed.append((sp | (dp << 14)).reshape(NW, EPP))
    packed_all = jnp.stack(packed)

    xp = jnp.zeros((NP, D), jnp.float32).at[:N].set(x)
    zero_agg = jnp.zeros((NP, D), jnp.float32)

    degs = _deg(dst_all).reshape(C, NW, NP)
    degq = _dred(degs)

    p_all = _aggB(xp.reshape(1, NP, D), packed_all, zero_agg)
    t13 = _mmf3(p_all, degq, jnp.stack((W0_0, W1_0, W2_0)))
    q_all = _aggB(t13, packed_all, zero_agg)

    return _att(q_all, degq, W0_1, W1_1, W2_1, att[0])

# --- scband reference (transcript-rebuilt; emitter-appended) ---
"""Pipeline reference for scband-peabase-recsys-model-5652176961551 (READ-ONLY COPY).

The authoritative reference and input builder live on the scoring server;
editing this copy changes nothing except your own understanding.
"""

import jax, jax.numpy as jnp
import numpy as np

N = 10000   # num_nodes
D = 128     # emb_dim == repr_dim
E = 320000  # edges per metapath
C = 3       # number of metapath channels
STEPS = [2, 2, 2]  # meta_path_steps


def setup_inputs(seed: int = 0) -> dict:
    key = jax.random.key(seed)
    ks = jax.random.split(key, 16)
    inp = {}
    # node embedding table (Parameter self.x, glorot-initialized)
    inp["x"] = jax.random.normal(ks[0], (N, D), dtype=jnp.float32) * (1.0 / np.sqrt(D))
    # one edge_index per metapath channel
    for c in range(C):
        inp[f"edge_index_{c}"] = jax.random.randint(ks[1 + c], (2, E), 0, N, dtype=jnp.int32)
    # per-channel, per-step propagation weights (the PEA channel GNN layers)
    wk = 4
    for c in range(C):
        for s in range(STEPS[c]):
            inp[f"W{c}_{s}"] = jax.random.normal(ks[wk], (D, D), dtype=jnp.float32) * (1.0 / np.sqrt(D))
            wk += 1
    # channel attention parameter self.att of shape [1, n_channels, repr_dim]
    inp["att"] = jax.random.normal(ks[wk], (1, C, D), dtype=jnp.float32) * 0.1
    return inp


def _channel(x, edge_index, Ws):
    # One PEA metapath channel: num_steps rounds of mean-aggregating message passing.
    src = edge_index[0]
    dst = edge_index[1]
    h = x
    deg = jax.ops.segment_sum(jnp.ones((E,), dtype=jnp.float32), dst, num_segments=N)
    deg = jnp.maximum(deg, 1.0)[:, None]
    for W in Ws:
        m = h[src] @ W                                        # gather + dense transform
        agg = jax.ops.segment_sum(m, dst, num_segments=N)     # scatter-add to dst nodes
        h = jax.nn.relu(agg / deg)
    return h


def reference(x, edge_index_0, edge_index_1, edge_index_2,
              W0_0, W0_1, W1_0, W1_1, W2_0, W2_1, att):
    # x = [module(x, edge_index_list[idx]).unsqueeze(1) for ...]; cat(dim=1)
    c0 = _channel(x, edge_index_0, [W0_0, W0_1])
    c1 = _channel(x, edge_index_1, [W1_0, W1_1])
    c2 = _channel(x, edge_index_2, [W2_0, W2_1])
    xs = jnp.stack([c0, c1, c2], axis=1)  # [N, C, D]
    # channel_aggr == 'att':
    # atts = softmax(sum(x * att, dim=-1), dim=-1).unsqueeze(-1); x = sum(x * atts, dim=1)
    atts = jax.nn.softmax(jnp.sum(xs * att, axis=-1), axis=-1)[..., None]  # [N, C, 1]
    out = jnp.sum(xs * atts, axis=1)  # [N, D]
    return out

if __name__ == "__main__":
    import jax
    _d = setup_inputs()
    print(jax.jit(kernel)(*tuple(_d.values())))

</pallas_src>

<mosaic_0001>
#map = affine_map<(d0, d1) -> (0, 0, 0, 0)>
#map1 = affine_map<(d0, d1) -> (0)>
module attributes {stable_mosaic.version = 14 : i64} {
  func.func @_deg_body(%arg0: i32, %arg1: i32, %arg2: memref<3x32x125x80xi32, #tpu.memory_space<hbm>>, %arg3: memref<983040xf32, #tpu.memory_space<hbm>>, %arg4: memref<125x80xi32, #tpu.memory_space<vmem>>, %arg5: memref<10240xf32, #tpu.memory_space<vmem>>) attributes {dimension_semantics = [#tpu.dimension_semantics<core_parallel>, #tpu.dimension_semantics<subcore_parallel>], iteration_bounds = array<i64: 2, 16>, scalar_prefetch = 0 : i64, scratch_operands = 2 : i64, tpu.core_type = #tpu.core_type<sc_vector_subcore>, window_params = [{transform_indices = #map}, {transform_indices = #map1}]} {
    %mul3A = arith.constant 16 : i32
    %mul3A_0 = arith.muli %arg0, %mul3A : i32
    %add3A = arith.addi %mul3A_0, %arg1 : i32
    %broadcast_in_dim3A = arith.constant 1.000000e+00 : f32
    %broadcast_in_dim3A_1 = vector.broadcast %broadcast_in_dim3A : f32 to vector<16xf32>
    %run_scoped3A = arith.constant 0 : i32
    "tpu.region"() ({
      %run_scoped3A_45 = tpu.sem_alloc : memref<!tpu.dma_semaphore, #tpu.memory_space<semaphore_mem>>
      %dma_start3A = arith.constant 0 : i32
      %dma_start3A_46 = arith.constant 0 : i32
      %dma_start3A_47 = tpu.memref_slice %arg2[%run_scoped3A, %add3A, %dma_start3A, %dma_start3A_46] : memref<3x32x125x80xi32, #tpu.memory_space<hbm>> -> memref<1x1x125x80xi32, #tpu.memory_space<hbm>>
      %dma_start3A_48 = tpu.memref_squeeze %dma_start3A_47 : memref<1x1x125x80xi32, #tpu.memory_space<hbm>> -> memref<125x80xi32, #tpu.memory_space<hbm>>
      %dma_start3A_49 = arith.constant 0 : i32
      %dma_start3A_50 = arith.constant 0 : i32
      %dma_start3A_51 = tpu.memref_slice %arg2[%run_scoped3A, %add3A, %dma_start3A_49, %dma_start3A_50] : memref<3x32x125x80xi32, #tpu.memory_space<hbm>> -> memref<1x1x125x80xi32, #tpu.memory_space<hbm>>
      %dma_start3A_52 = tpu.memref_squeeze %dma_start3A_51 : memref<1x1x125x80xi32, #tpu.memory_space<hbm>> -> memref<125x80xi32, #tpu.memory_space<hbm>>
      tpu.enqueue_dma source(%dma_start3A_52 : memref<125x80xi32, #tpu.memory_space<hbm>>) target(%arg4 : memref<125x80xi32, #tpu.memory_space<vmem>>) target_semaphore(%run_scoped3A_45 : memref<!tpu.dma_semaphore, #tpu.memory_space<semaphore_mem>>)
      %dma_wait3A = arith.constant 0 : i32
      %dma_wait3A_53 = arith.constant 0 : i32
      %dma_wait3A_54 = tpu.memref_slice %arg2[%run_scoped3A, %add3A, %dma_wait3A, %dma_wait3A_53] : memref<3x32x125x80xi32, #tpu.memory_space<hbm>> -> memref<1x1x125x80xi32, #tpu.memory_space<hbm>>
      %dma_wait3A_55 = tpu.memref_squeeze %dma_wait3A_54 : memref<1x1x125x80xi32, #tpu.memory_space<hbm>> -> memref<125x80xi32, #tpu.memory_space<hbm>>
      %dma_wait3A_56 = arith.constant 0 : i32
      %dma_wait3A_57 = arith.constant 0 : i32
      %dma_wait3A_58 = tpu.memref_slice %arg2[%run_scoped3A, %add3A, %dma_wait3A_56, %dma_wait3A_57] : memref<3x32x125x80xi32, #tpu.memory_space<hbm>> -> memref<1x1x125x80xi32, #tpu.memory_space<hbm>>
      %dma_wait3A_59 = tpu.memref_squeeze %dma_wait3A_58 : memref<1x1x125x80xi32, #tpu.memory_space<hbm>> -> memref<125x80xi32, #tpu.memory_space<hbm>>
      tpu.wait_dma2 semaphore(%run_scoped3A_45 : memref<!tpu.dma_semaphore, #tpu.memory_space<semaphore_mem>>) src(%dma_wait3A_59 : memref<125x80xi32, #tpu.memory_space<hbm>>) dst(%arg4 : memref<125x80xi32, #tpu.memory_space<vmem>>)
      tpu.yield
    }) : () -> ()
    %scan3A = arith.constant 0 : i32
    %scan3A_2 = arith.constant 640 : i32
    %scan3A_3 = arith.addi %scan3A, %scan3A_2 : i32
    %scan3A_4 = arith.constant 1 : i32
    scf.for %scan3A_45 = %scan3A to %scan3A_3 step %scan3A_4  : i32 {
      %mul3A_46 = arith.constant 1 : i32
      %mul3A_47 = arith.muli %scan3A_45, %mul3A_46 : i32
      %add3A_48 = arith.constant 0 : i32
      %add3A_49 = arith.addi %add3A_48, %mul3A_47 : i32
      %broadcast_in_dim3A_50 = arith.constant 0.000000e+00 : f32
      %broadcast_in_dim3A_51 = vector.broadcast %broadcast_in_dim3A_50 : f32 to vector<16xf32>
      %mul3A_52 = arith.constant 16 : i32
      %mul3A_53 = arith.muli %add3A_49, %mul3A_52 : i32
      %swap3A = arith.index_cast %mul3A_53 : i32 to index
      %swap3A_54 = tpu.vector_load %arg5[%swap3A] {strides = array<i32>} : memref<10240xf32, #tpu.memory_space<vmem>>, vector<16xf32>,
      tpu.vector_store %arg5[%swap3A], %broadcast_in_dim3A_51 {strides = array<i32>} : memref<10240xf32, #tpu.memory_space<vmem>>, vector<16xf32>,
    }
    %scan3A_5 = arith.constant 640 : i32
    %scan3A_6 = arith.constant 0 : i32
    %scan3A_7 = arith.constant 125 : i32
    %scan3A_8 = arith.addi %scan3A_6, %scan3A_7 : i32
    %scan3A_9 = arith.constant 1 : i32
    scf.for %scan3A_45 = %scan3A_6 to %scan3A_8 step %scan3A_9  : i32 {
      %mul3A_46 = arith.constant 1 : i32
      %mul3A_47 = arith.muli %scan3A_45, %mul3A_46 : i32
      %add3A_48 = arith.constant 0 : i32
      %add3A_49 = arith.addi %add3A_48, %mul3A_47 : i32
      %get3A = arith.index_cast %add3A_49 : i32 to index
      %get3A_50 = arith.constant 0 : index
      %get3A_51 = tpu.vector_load %arg4[%get3A, %get3A_50] {strides = array<i32>} : memref<125x80xi32, #tpu.memory_space<vmem>>, vector<16xi32>,
      tpu.vector_store_idx %arg5[%get3A_51], %broadcast_in_dim3A_1 {add = true} : memref<10240xf32, #tpu.memory_space<vmem>>[vector<16xi32>], vector<16xf32>,
      %get3A_52 = arith.index_cast %add3A_49 : i32 to index
      %get3A_53 = arith.constant 16 : index
      %get3A_54 = tpu.vector_load %arg4[%get3A_52, %get3A_53] {strides = array<i32>} : memref<125x80xi32, #tpu.memory_space<vmem>>, vector<16xi32>,
      tpu.vector_store_idx %arg5[%get3A_54], %broadcast_in_dim3A_1 {add = true} : memref<10240xf32, #tpu.memory_space<vmem>>[vector<16xi32>], vector<16xf32>,
      %get3A_55 = arith.index_cast %add3A_49 : i32 to index
      %get3A_56 = arith.constant 32 : index
      %get3A_57 = tpu.vector_load %arg4[%get3A_55, %get3A_56] {strides = array<i32>} : memref<125x80xi32, #tpu.memory_space<vmem>>, vector<16xi32>,
      tpu.vector_store_idx %arg5[%get3A_57], %broadcast_in_dim3A_1 {add = true} : memref<10240xf32, #tpu.memory_space<vmem>>[vector<16xi32>], vector<16xf32>,
      %get3A_58 = arith.index_cast %add3A_49 : i32 to index
      %get3A_59 = arith.constant 48 : index
      %get3A_60 = tpu.vector_load %arg4[%get3A_58, %get3A_59] {strides = array<i32>} : memref<125x80xi32, #tpu.memory_space<vmem>>, vector<16xi32>,
      tpu.vector_store_idx %arg5[%get3A_60], %broadcast_in_dim3A_1 {add = true} : memref<10240xf32, #tpu.memory_space<vmem>>[vector<16xi32>], vector<16xf32>,
      %get3A_61 = arith.index_cast %add3A_49 : i32 to index
      %get3A_62 = arith.constant 64 : index
      %get3A_63 = tpu.vector_load %arg4[%get3A_61, %get3A_62] {strides = array<i32>} : memref<125x80xi32, #tpu.memory_space<vmem>>, vector<16xi32>,
      tpu.vector_store_idx %arg5[%get3A_63], %broadcast_in_dim3A_1 {add = true} : memref<10240xf32, #tpu.memory_space<vmem>>[vector<16xi32>], vector<16xf32>,
    }
    %scan3A_10 = arith.constant 125 : i32
    %add3A_11 = arith.constant 0 : i32
    %add3A_12 = arith.addi %add3A_11, %add3A : i32
    %mul3A_13 = arith.constant 10240 : i32
    %mul3A_14 = arith.muli %add3A_12, %mul3A_13 : i32
    "tpu.region"() ({
      %run_scoped3A_45 = tpu.sem_alloc : memref<!tpu.dma_semaphore, #tpu.memory_space<semaphore_mem>>
      %dma_start3A = tpu.memref_slice %arg3[%mul3A_14] : memref<983040xf32, #tpu.memory_space<hbm>> -> memref<10240xf32, #tpu.memory_space<hbm>>
      %dma_start3A_46 = tpu.memref_slice %arg3[%mul3A_14] : memref<983040xf32, #tpu.memory_space<hbm>> -> memref<10240xf32, #tpu.memory_space<hbm>>
      tpu.enqueue_dma source(%arg5 : memref<10240xf32, #tpu.memory_space<vmem>>) target(%dma_start3A_46 : memref<10240xf32, #tpu.memory_space<hbm>>) target_semaphore(%run_scoped3A_45 : memref<!tpu.dma_semaphore, #tpu.memory_space<semaphore_mem>>)
      %dma_wait3A = tpu.memref_slice %arg3[%mul3A_14] : memref<983040xf32, #tpu.memory_space<hbm>> -> memref<10240xf32, #tpu.memory_space<hbm>>
      %dma_wait3A_47 = tpu.memref_slice %arg3[%mul3A_14] : memref<983040xf32, #tpu.memory_space<hbm>> -> memref<10240xf32, #tpu.memory_space<hbm>>
      tpu.wait_dma2 semaphore(%run_scoped3A_45 : memref<!tpu.dma_semaphore, #tpu.memory_space<semaphore_mem>>) src(%arg5 : memref<10240xf32, #tpu.memory_space<vmem>>) dst(%dma_wait3A_47 : memref<10240xf32, #tpu.memory_space<hbm>>)
      tpu.yield
    }) : () -> ()
    %run_scoped3A_15 = arith.constant 1 : i32
    "tpu.region"() ({
      %run_scoped3A_45 = tpu.sem_alloc : memref<!tpu.dma_semaphore, #tpu.memory_space<semaphore_mem>>
      %dma_start3A = arith.constant 0 : i32
      %dma_start3A_46 = arith.constant 0 : i32
      %dma_start3A_47 = tpu.memref_slice %arg2[%run_scoped3A_15, %add3A, %dma_start3A, %dma_start3A_46] : memref<3x32x125x80xi32, #tpu.memory_space<hbm>> -> memref<1x1x125x80xi32, #tpu.memory_space<hbm>>
      %dma_start3A_48 = tpu.memref_squeeze %dma_start3A_47 : memref<1x1x125x80xi32, #tpu.memory_space<hbm>> -> memref<125x80xi32, #tpu.memory_space<hbm>>
      %dma_start3A_49 = arith.constant 0 : i32
      %dma_start3A_50 = arith.constant 0 : i32
      %dma_start3A_51 = tpu.memref_slice %arg2[%run_scoped3A_15, %add3A, %dma_start3A_49, %dma_start3A_50] : memref<3x32x125x80xi32, #tpu.memory_space<hbm>> -> memref<1x1x125x80xi32, #tpu.memory_space<hbm>>
      %dma_start3A_52 = tpu.memref_squeeze %dma_start3A_51 : memref<1x1x125x80xi32, #tpu.memory_space<hbm>> -> memref<125x80xi32, #tpu.memory_space<hbm>>
      tpu.enqueue_dma source(%dma_start3A_52 : memref<125x80xi32, #tpu.memory_space<hbm>>) target(%arg4 : memref<125x80xi32, #tpu.memory_space<vmem>>) target_semaphore(%run_scoped3A_45 : memref<!tpu.dma_semaphore, #tpu.memory_space<semaphore_mem>>)
      %dma_wait3A = arith.constant 0 : i32
      %dma_wait3A_53 = arith.constant 0 : i32
      %dma_wait3A_54 = tpu.memref_slice %arg2[%run_scoped3A_15, %add3A, %dma_wait3A, %dma_wait3A_53] : memref<3x32x125x80xi32, #tpu.memory_space<hbm>> -> memref<1x1x125x80xi32, #tpu.memory_space<hbm>>
      %dma_wait3A_55 = tpu.memref_squeeze %dma_wait3A_54 : memref<1x1x125x80xi32, #tpu.memory_space<hbm>> -> memref<125x80xi32, #tpu.memory_space<hbm>>
      %dma_wait3A_56 = arith.constant 0 : i32
      %dma_wait3A_57 = arith.constant 0 : i32
      %dma_wait3A_58 = tpu.memref_slice %arg2[%run_scoped3A_15, %add3A, %dma_wait3A_56, %dma_wait3A_57] : memref<3x32x125x80xi32, #tpu.memory_space<hbm>> -> memref<1x1x125x80xi32, #tpu.memory_space<hbm>>
      %dma_wait3A_59 = tpu.memref_squeeze %dma_wait3A_58 : memref<1x1x125x80xi32, #tpu.memory_space<hbm>> -> memref<125x80xi32, #tpu.memory_space<hbm>>
      tpu.wait_dma2 semaphore(%run_scoped3A_45 : memref<!tpu.dma_semaphore, #tpu.memory_space<semaphore_mem>>) src(%dma_wait3A_59 : memref<125x80xi32, #tpu.memory_space<hbm>>) dst(%arg4 : memref<125x80xi32, #tpu.memory_space<vmem>>)
      tpu.yield
    }) : () -> ()
    %scan3A_16 = arith.constant 0 : i32
    %scan3A_17 = arith.constant 640 : i32
    %scan3A_18 = arith.addi %scan3A_16, %scan3A_17 : i32
    %scan3A_19 = arith.constant 1 : i32
    scf.for %scan3A_45 = %scan3A_16 to %scan3A_18 step %scan3A_19  : i32 {
      %mul3A_46 = arith.constant 1 : i32
      %mul3A_47 = arith.muli %scan3A_45, %mul3A_46 : i32
      %add3A_48 = arith.constant 0 : i32
      %add3A_49 = arith.addi %add3A_48, %mul3A_47 : i32
      %broadcast_in_dim3A_50 = arith.constant 0.000000e+00 : f32
      %broadcast_in_dim3A_51 = vector.broadcast %broadcast_in_dim3A_50 : f32 to vector<16xf32>
      %mul3A_52 = arith.constant 16 : i32
      %mul3A_53 = arith.muli %add3A_49, %mul3A_52 : i32
      %swap3A = arith.index_cast %mul3A_53 : i32 to index
      %swap3A_54 = tpu.vector_load %arg5[%swap3A] {strides = array<i32>} : memref<10240xf32, #tpu.memory_space<vmem>>, vector<16xf32>,
      tpu.vector_store %arg5[%swap3A], %broadcast_in_dim3A_51 {strides = array<i32>} : memref<10240xf32, #tpu.memory_space<vmem>>, vector<16xf32>,
    }
    %scan3A_20 = arith.constant 640 : i32
    %scan3A_21 = arith.constant 0 : i32
    %scan3A_22 = arith.constant 125 : i32
    %scan3A_23 = arith.addi %scan3A_21, %scan3A_22 : i32
    %scan3A_24 = arith.constant 1 : i32
    scf.for %scan3A_45 = %scan3A_21 to %scan3A_23 step %scan3A_24  : i32 {
      %mul3A_46 = arith.constant 1 : i32
      %mul3A_47 = arith.muli %scan3A_45, %mul3A_46 : i32
      %add3A_48 = arith.constant 0 : i32
      %add3A_49 = arith.addi %add3A_48, %mul3A_47 : i32
      %get3A = arith.index_cast %add3A_49 : i32 to index
      %get3A_50 = arith.constant 0 : index
      %get3A_51 = tpu.vector_load %arg4[%get3A, %get3A_50] {strides = array<i32>} : memref<125x80xi32, #tpu.memory_space<vmem>>, vector<16xi32>,
      tpu.vector_store_idx %arg5[%get3A_51], %broadcast_in_dim3A_1 {add = true} : memref<10240xf32, #tpu.memory_space<vmem>>[vector<16xi32>], vector<16xf32>,
      %get3A_52 = arith.index_cast %add3A_49 : i32 to index
      %get3A_53 = arith.constant 16 : index
      %get3A_54 = tpu.vector_load %arg4[%get3A_52, %get3A_53] {strides = array<i32>} : memref<125x80xi32, #tpu.memory_space<vmem>>, vector<16xi32>,
      tpu.vector_store_idx %arg5[%get3A_54], %broadcast_in_dim3A_1 {add = true} : memref<10240xf32, #tpu.memory_space<vmem>>[vector<16xi32>], vector<16xf32>,
      %get3A_55 = arith.index_cast %add3A_49 : i32 to index
      %get3A_56 = arith.constant 32 : index
      %get3A_57 = tpu.vector_load %arg4[%get3A_55, %get3A_56] {strides = array<i32>} : memref<125x80xi32, #tpu.memory_space<vmem>>, vector<16xi32>,
      tpu.vector_store_idx %arg5[%get3A_57], %broadcast_in_dim3A_1 {add = true} : memref<10240xf32, #tpu.memory_space<vmem>>[vector<16xi32>], vector<16xf32>,
      %get3A_58 = arith.index_cast %add3A_49 : i32 to index
      %get3A_59 = arith.constant 48 : index
      %get3A_60 = tpu.vector_load %arg4[%get3A_58, %get3A_59] {strides = array<i32>} : memref<125x80xi32, #tpu.memory_space<vmem>>, vector<16xi32>,
      tpu.vector_store_idx %arg5[%get3A_60], %broadcast_in_dim3A_1 {add = true} : memref<10240xf32, #tpu.memory_space<vmem>>[vector<16xi32>], vector<16xf32>,
      %get3A_61 = arith.index_cast %add3A_49 : i32 to index
      %get3A_62 = arith.constant 64 : index
      %get3A_63 = tpu.vector_load %arg4[%get3A_61, %get3A_62] {strides = array<i32>} : memref<125x80xi32, #tpu.memory_space<vmem>>, vector<16xi32>,
      tpu.vector_store_idx %arg5[%get3A_63], %broadcast_in_dim3A_1 {add = true} : memref<10240xf32, #tpu.memory_space<vmem>>[vector<16xi32>], vector<16xf32>,
    }
    %scan3A_25 = arith.constant 125 : i32
    %add3A_26 = arith.constant 32 : i32
    %add3A_27 = arith.addi %add3A_26, %add3A : i32
    %mul3A_28 = arith.constant 10240 : i32
    %mul3A_29 = arith.muli %add3A_27, %mul3A_28 : i32
    "tpu.region"() ({
      %run_scoped3A_45 = tpu.sem_alloc : memref<!tpu.dma_semaphore, #tpu.memory_space<semaphore_mem>>
      %dma_start3A = tpu.memref_slice %arg3[%mul3A_29] : memref<983040xf32, #tpu.memory_space<hbm>> -> memref<10240xf32, #tpu.memory_space<hbm>>
      %dma_start3A_46 = tpu.memref_slice %arg3[%mul3A_29] : memref<983040xf32, #tpu.memory_space<hbm>> -> memref<10240xf32, #tpu.memory_space<hbm>>
      tpu.enqueue_dma source(%arg5 : memref<10240xf32, #tpu.memory_space<vmem>>) target(%dma_start3A_46 : memref<10240xf32, #tpu.memory_space<hbm>>) target_semaphore(%run_scoped3A_45 : memref<!tpu.dma_semaphore, #tpu.memory_space<semaphore_mem>>)
      %dma_wait3A = tpu.memref_slice %arg3[%mul3A_29] : memref<983040xf32, #tpu.memory_space<hbm>> -> memref<10240xf32, #tpu.memory_space<hbm>>
      %dma_wait3A_47 = tpu.memref_slice %arg3[%mul3A_29] : memref<983040xf32, #tpu.memory_space<hbm>> -> memref<10240xf32, #tpu.memory_space<hbm>>
      tpu.wait_dma2 semaphore(%run_scoped3A_45 : memref<!tpu.dma_semaphore, #tpu.memory_space<semaphore_mem>>) src(%arg5 : memref<10240xf32, #tpu.memory_space<vmem>>) dst(%dma_wait3A_47 : memref<10240xf32, #tpu.memory_space<hbm>>)
      tpu.yield
    }) : () -> ()
    %run_scoped3A_30 = arith.constant 2 : i32
    "tpu.region"() ({
      %run_scoped3A_45 = tpu.sem_alloc : memref<!tpu.dma_semaphore, #tpu.memory_space<semaphore_mem>>
      %dma_start3A = arith.constant 0 : i32
      %dma_start3A_46 = arith.constant 0 : i32
      %dma_start3A_47 = tpu.memref_slice %arg2[%run_scoped3A_30, %add3A, %dma_start3A, %dma_start3A_46] : memref<3x32x125x80xi32, #tpu.memory_space<hbm>> -> memref<1x1x125x80xi32, #tpu.memory_space<hbm>>
      %dma_start3A_48 = tpu.memref_squeeze %dma_start3A_47 : memref<1x1x125x80xi32, #tpu.memory_space<hbm>> -> memref<125x80xi32, #tpu.memory_space<hbm>>
      %dma_start3A_49 = arith.constant 0 : i32
      %dma_start3A_50 = arith.constant 0 : i32
      %dma_start3A_51 = tpu.memref_slice %arg2[%run_scoped3A_30, %add3A, %dma_start3A_49, %dma_start3A_50] : memref<3x32x125x80xi32, #tpu.memory_space<hbm>> -> memref<1x1x125x80xi32, #tpu.memory_space<hbm>>
      %dma_start3A_52 = tpu.memref_squeeze %dma_start3A_51 : memref<1x1x125x80xi32, #tpu.memory_space<hbm>> -> memref<125x80xi32, #tpu.memory_space<hbm>>
      tpu.enqueue_dma source(%dma_start3A_52 : memref<125x80xi32, #tpu.memory_space<hbm>>) target(%arg4 : memref<125x80xi32, #tpu.memory_space<vmem>>) target_semaphore(%run_scoped3A_45 : memref<!tpu.dma_semaphore, #tpu.memory_space<semaphore_mem>>)
      %dma_wait3A = arith.constant 0 : i32
      %dma_wait3A_53 = arith.constant 0 : i32
      %dma_wait3A_54 = tpu.memref_slice %arg2[%run_scoped3A_30, %add3A, %dma_wait3A, %dma_wait3A_53] : memref<3x32x125x80xi32, #tpu.memory_space<hbm>> -> memref<1x1x125x80xi32, #tpu.memory_space<hbm>>
      %dma_wait3A_55 = tpu.memref_squeeze %dma_wait3A_54 : memref<1x1x125x80xi32, #tpu.memory_space<hbm>> -> memref<125x80xi32, #tpu.memory_space<hbm>>
      %dma_wait3A_56 = arith.constant 0 : i32
      %dma_wait3A_57 = arith.constant 0 : i32
      %dma_wait3A_58 = tpu.memref_slice %arg2[%run_scoped3A_30, %add3A, %dma_wait3A_56, %dma_wait3A_57] : memref<3x32x125x80xi32, #tpu.memory_space<hbm>> -> memref<1x1x125x80xi32, #tpu.memory_space<hbm>>
      %dma_wait3A_59 = tpu.memref_squeeze %dma_wait3A_58 : memref<1x1x125x80xi32, #tpu.memory_space<hbm>> -> memref<125x80xi32, #tpu.memory_space<hbm>>
      tpu.wait_dma2 semaphore(%run_scoped3A_45 : memref<!tpu.dma_semaphore, #tpu.memory_space<semaphore_mem>>) src(%dma_wait3A_59 : memref<125x80xi32, #tpu.memory_space<hbm>>) dst(%arg4 : memref<125x80xi32, #tpu.memory_space<vmem>>)
      tpu.yield
    }) : () -> ()
    %scan3A_31 = arith.constant 0 : i32
    %scan3A_32 = arith.constant 640 : i32
    %scan3A_33 = arith.addi %scan3A_31, %scan3A_32 : i32
    %scan3A_34 = arith.constant 1 : i32
    scf.for %scan3A_45 = %scan3A_31 to %scan3A_33 step %scan3A_34  : i32 {
      %mul3A_46 = arith.constant 1 : i32
      %mul3A_47 = arith.muli %scan3A_45, %mul3A_46 : i32
      %add3A_48 = arith.constant 0 : i32
      %add3A_49 = arith.addi %add3A_48, %mul3A_47 : i32
      %broadcast_in_dim3A_50 = arith.constant 0.000000e+00 : f32
      %broadcast_in_dim3A_51 = vector.broadcast %broadcast_in_dim3A_50 : f32 to vector<16xf32>
      %mul3A_52 = arith.constant 16 : i32
      %mul3A_53 = arith.muli %add3A_49, %mul3A_52 : i32
      %swap3A = arith.index_cast %mul3A_53 : i32 to index
      %swap3A_54 = tpu.vector_load %arg5[%swap3A] {strides = array<i32>} : memref<10240xf32, #tpu.memory_space<vmem>>, vector<16xf32>,
      tpu.vector_store %arg5[%swap3A], %broadcast_in_dim3A_51 {strides = array<i32>} : memref<10240xf32, #tpu.memory_space<vmem>>, vector<16xf32>,
    }
    %scan3A_35 = arith.constant 640 : i32
    %scan3A_36 = arith.constant 0 : i32
    %scan3A_37 = arith.constant 125 : i32
    %scan3A_38 = arith.addi %scan3A_36, %scan3A_37 : i32
    %scan3A_39 = arith.constant 1 : i32
    scf.for %scan3A_45 = %scan3A_36 to %scan3A_38 step %scan3A_39  : i32 {
      %mul3A_46 = arith.constant 1 : i32
      %mul3A_47 = arith.muli %scan3A_45, %mul3A_46 : i32
      %add3A_48 = arith.constant 0 : i32
      %add3A_49 = arith.addi %add3A_48, %mul3A_47 : i32
      %get3A = arith.index_cast %add3A_49 : i32 to index
      %get3A_50 = arith.constant 0 : index
      %get3A_51 = tpu.vector_load %arg4[%get3A, %get3A_50] {strides = array<i32>} : memref<125x80xi32, #tpu.memory_space<vmem>>, vector<16xi32>,
      tpu.vector_store_idx %arg5[%get3A_51], %broadcast_in_dim3A_1 {add = true} : memref<10240xf32, #tpu.memory_space<vmem>>[vector<16xi32>], vector<16xf32>,
      %get3A_52 = arith.index_cast %add3A_49 : i32 to index
      %get3A_53 = arith.constant 16 : index
      %get3A_54 = tpu.vector_load %arg4[%get3A_52, %get3A_53] {strides = array<i32>} : memref<125x80xi32, #tpu.memory_space<vmem>>, vector<16xi32>,
      tpu.vector_store_idx %arg5[%get3A_54], %broadcast_in_dim3A_1 {add = true} : memref<10240xf32, #tpu.memory_space<vmem>>[vector<16xi32>], vector<16xf32>,
      %get3A_55 = arith.index_cast %add3A_49 : i32 to index
      %get3A_56 = arith.constant 32 : index
      %get3A_57 = tpu.vector_load %arg4[%get3A_55, %get3A_56] {strides = array<i32>} : memref<125x80xi32, #tpu.memory_space<vmem>>, vector<16xi32>,
      tpu.vector_store_idx %arg5[%get3A_57], %broadcast_in_dim3A_1 {add = true} : memref<10240xf32, #tpu.memory_space<vmem>>[vector<16xi32>], vector<16xf32>,
      %get3A_58 = arith.index_cast %add3A_49 : i32 to index
      %get3A_59 = arith.constant 48 : index
      %get3A_60 = tpu.vector_load %arg4[%get3A_58, %get3A_59] {strides = array<i32>} : memref<125x80xi32, #tpu.memory_space<vmem>>, vector<16xi32>,
      tpu.vector_store_idx %arg5[%get3A_60], %broadcast_in_dim3A_1 {add = true} : memref<10240xf32, #tpu.memory_space<vmem>>[vector<16xi32>], vector<16xf32>,
      %get3A_61 = arith.index_cast %add3A_49 : i32 to index
      %get3A_62 = arith.constant 64 : index
      %get3A_63 = tpu.vector_load %arg4[%get3A_61, %get3A_62] {strides = array<i32>} : memref<125x80xi32, #tpu.memory_space<vmem>>, vector<16xi32>,
      tpu.vector_store_idx %arg5[%get3A_63], %broadcast_in_dim3A_1 {add = true} : memref<10240xf32, #tpu.memory_space<vmem>>[vector<16xi32>], vector<16xf32>,
    }
    %scan3A_40 = arith.constant 125 : i32
    %add3A_41 = arith.constant 64 : i32
    %add3A_42 = arith.addi %add3A_41, %add3A : i32
    %mul3A_43 = arith.constant 10240 : i32
    %mul3A_44 = arith.muli %add3A_42, %mul3A_43 : i32
    "tpu.region"() ({
      %run_scoped3A_45 = tpu.sem_alloc : memref<!tpu.dma_semaphore, #tpu.memory_space<semaphore_mem>>
      %dma_start3A = tpu.memref_slice %arg3[%mul3A_44] : memref<983040xf32, #tpu.memory_space<hbm>> -> memref<10240xf32, #tpu.memory_space<hbm>>
      %dma_start3A_46 = tpu.memref_slice %arg3[%mul3A_44] : memref<983040xf32, #tpu.memory_space<hbm>> -> memref<10240xf32, #tpu.memory_space<hbm>>
      tpu.enqueue_dma source(%arg5 : memref<10240xf32, #tpu.memory_space<vmem>>) target(%dma_start3A_46 : memref<10240xf32, #tpu.memory_space<hbm>>) target_semaphore(%run_scoped3A_45 : memref<!tpu.dma_semaphore, #tpu.memory_space<semaphore_mem>>)
      %dma_wait3A = tpu.memref_slice %arg3[%mul3A_44] : memref<983040xf32, #tpu.memory_space<hbm>> -> memref<10240xf32, #tpu.memory_space<hbm>>
      %dma_wait3A_47 = tpu.memref_slice %arg3[%mul3A_44] : memref<983040xf32, #tpu.memory_space<hbm>> -> memref<10240xf32, #tpu.memory_space<hbm>>
      tpu.wait_dma2 semaphore(%run_scoped3A_45 : memref<!tpu.dma_semaphore, #tpu.memory_space<semaphore_mem>>) src(%arg5 : memref<10240xf32, #tpu.memory_space<vmem>>) dst(%dma_wait3A_47 : memref<10240xf32, #tpu.memory_space<hbm>>)
      tpu.yield
    }) : () -> ()
    return
  }
}

</mosaic_0001>

<sc_bundles>
// kernel: _deg.3.cloned.1.call-start
scs
__scs_entry_jumppad:
0x0: {  	(pc) =	sbr.rel $0x88, $3  }
0x1: {  	(tag) =	ssettag $0x0;
	lr =	simm.s32 $0x1  }
0x2: {  	[smem:$0x3FA0] =	sst lr;
	_ =	strace $0xD0000000  }
0x3: {  	_ = 	snop  }
0x4: {  	_ = 	snop  }
0x5: {  	_ = 	snop  }
0x6: {  	_ = 	snop  }
0x7: {  	_ = 	snop  }
__scs_overlays_trampoline_lowered:
0x8: {  	[smem:$0x3FAF] =	sst s0  }
0x9: {  	[smem:$0x3FB0] =	sst s1  }
0xa: {  	[smem:$0x3FB1] =	sst s2  }
0xb: {  	[smem:$0x3FB2] =	sst s3  }
0xc: {  	[smem:$0x3FB3] =	sst s4  }
0xd: {  	[smem:$0x3FB4] =	sst s5  }
0xe: {  	[smem:$0x3FB5] =	sst s6  }
0xf: {  	[smem:$0x3FB6] =	sst s7  }
0x10: {  	[smem:$0x3FB7] =	sst s8  }
0x11: {  	[smem:$0x3FB8] =	sst s9;
	s0 =	simm.s32 @!p0 $0x0  }
0x12: {  	s1 =	sld [smem:$0x3F9E];
	s0 =	simm.s32 @p0 $0x1  }
0x13: {  	[smem:$0x3FB9] =	sst s0;
	s0 =	simm.s32 @!p1 $0x0  }
0x14: {  	s2 =	sld [smem:$0x3F9D];
	s0 =	simm.s32 @p1 $0x1  }
0x15: {  	[smem:$0x3FBA] =	sst s0;
	s0 =	simm.s32 @!p2 $0x0  }
0x16: {  	s3 =	sld [smem:$0x3FDB];
	s0 =	simm.s32 @p2 $0x1  }
0x17: {  	s4 =	simm.s32 $0x1BF5;
	[smem:$0x3FBC] =	sst s0  }
0x18: {  	s0 =	sld [smem:$0x3F9F];
	_ =	swait.ge [sflag:s4], $0x0  }
0x19: {  	s7 =	sld [smem:$0x3FA0]  }
0x1a: {  	s8 =	sadd.s32 $0xFFFFE003, lr  }
0x1b: {  	s9 =	sadd.s32 $0xFFFFFEF7, lr;
	s5 =	simm.s32 $0xFFFFFFFF;
	p2 =	slt.u32 s8, $0xFFFFF086  }
0x1c: {  	p1 =	slt.u32 s9, $0xF7A;
	s5 =	simm.s32 @!p2 $0x0  }
0x1d: {  	s5 =	simm.s32 @p1 $0x1;
	p0 =	seq.s32 s7, s2  }
0x1e: {  	s7 =	smul.u32 @!p0 $0xF7A, s2;
	p2 =	seq.s32 @!p0 s5, $0x0  }
0x1f: {  	s9 =	smul.u32 $0xF7A, s1;
	s8 =	simm.s32 @!p0 $0x1BF5;
	p2 =	por !p2, p0  }
0x20: {  	[sflag:s8] =	ssyncset.s32 @!p0 $0xFFFFF086;
	s6 =	sadd.s32 @!p0 s3, s7;
	s7 =	simm.s32 @!p0 $0x108  }
0x21: {  	s3 =	sadd.s32 s3, s9;
	s6 =	sadd.s32 @!p0 $0x88, s6;
	s7 =	simm.s32 @p2 $0x1082  }
0x22: {  	[simem:s7], [sflag:s8] =	dma.local @!p0 [hbm:s6], $0xF7A  }
0x23: {  	s9 =	sor.u32 $0xD0000000, s2;
	s6 =	simm.s32 $0x108;
	_ =	swait.ge @!p0 [sflag:s8], $0x0  }
0x24: {  	s3 =	sadd.s32 $0x88, s3;
	s6 =	simm.s32 @!p1 $0x1082;
	[sflag:s4] =	ssyncset.s32 $0xFFFFF086  }
0x25: {  	[simem:s6], [sflag:s4] =	dma.local [hbm:s3], $0xF7A  }
0x26: {  	[smem:$0x3FA0] =	sst s1;
	(tag) =	ssettag s2;
	_ =	strace s9  }
0x27: {  	s1 =	sld [smem:$0x3FB0]  }
0x28: {  	s2 =	sld [smem:$0x3FB1]  }
0x29: {  	s4 =	sld [smem:$0x3FB3]  }
0x2a: {  	p0 =	seq.s32 s5, $0x0;
	s5 =	sld [smem:$0x3FB4]  }
0x2b: {  	s6 =	sld [smem:$0x3FB5]  }
0x2c: {  	s7 =	sld [smem:$0x3FB6]  }
0x2d: {  	s3 =	simm.s32 $0x108;
	s8 =	sld [smem:$0x3FB7]  }
0x2e: {  	s3 =	simm.s32 @!p0 $0x1082;
	s9 =	sld [smem:$0x3FB8]  }
0x2f: {  	lr =	sadd.s32 s0, s3;
	s0 =	sld [smem:$0x3FAF]  }
0x30: {  	s3 =	sld [smem:$0x3FB2]  }
0x31: {  	[smem:$0x3FBB] =	sst s10  }
0x32: {  	s10 =	sld [smem:$0x3FB9];
	_ =	sdelay $0x3  }
0x33: {  	p0 =	seq.s32 s10, $0x1;
	s10 =	sld [smem:$0x3FBB];
	_ =	sdelay $0x3  }
0x34: {  	[smem:$0x3FBB] =	sst s10  }
0x35: {  	s10 =	sld [smem:$0x3FBA];
	_ =	sdelay $0x3  }
0x36: {  	p1 =	seq.s32 s10, $0x1;
	s10 =	sld [smem:$0x3FBB];
	_ =	sdelay $0x3  }
0x37: {  	[smem:$0x3FBB] =	sst s10  }
0x38: {  	s10 =	sld [smem:$0x3FBC]  }
0x39: {  	_ = 	snop;
	(pc) =	sbr.ind lr, $3  }
0x3a: {  	_ = 	snop  }
0x3b: {  	_ = 	snop  }
0x3c: {  	p2 =	seq.s32 s10, $0x1;
	s10 =	sld [smem:$0x3FBB]  }
0x3d: {  	_ =	shalt  }
0x3e: {  	_ =	shalt  }
0x3f: {  	_ =	shalt  }
0x40: {  	_ =	shalt  }
0x41: {  	_ =	shalt  }
0x42: {  	_ =	shalt  }
0x43: {  	_ =	shalt  }
0x44: {  	_ =	shalt  }
0x45: {  	_ =	shalt  }
0x46: {  	_ =	shalt  }
0x47: {  	_ =	shalt  }
0x48: {  	_ =	shalt  }
0x49: {  	_ =	shalt  }
0x4a: {  	_ =	shalt  }
0x4b: {  	_ =	shalt  }
0x4c: {  	_ =	shalt  }
0x4d: {  	_ =	shalt  }
0x4e: {  	_ =	shalt  }
0x4f: {  	_ =	shalt  }
0x50: {  	_ =	shalt  }
0x51: {  	_ =	shalt  }
0x52: {  	_ =	shalt  }
0x53: {  	_ =	shalt  }
0x54: {  	_ =	shalt  }
0x55: {  	_ =	shalt  }
0x56: {  	_ =	shalt  }
0x57: {  	_ =	shalt  }
0x58: {  	_ =	shalt  }
0x59: {  	_ =	shalt  }
0x5a: {  	_ =	shalt  }
0x5b: {  	_ =	shalt  }
0x5c: {  	_ =	shalt  }
0x5d: {  	_ =	shalt  }
0x5e: {  	_ =	shalt  }
0x5f: {  	_ =	shalt  }
0x60: {  	_ =	shalt  }
0x61: {  	_ =	shalt  }
0x62: {  	_ =	shalt  }
0x63: {  	_ =	shalt  }
0x64: {  	_ =	shalt  }
0x65: {  	_ =	shalt  }
0x66: {  	_ =	shalt  }
0x67: {  	_ =	shalt  }
0x68: {  	_ =	shalt  }
0x69: {  	_ =	shalt  }
0x6a: {  	_ =	shalt  }
0x6b: {  	_ =	shalt  }
0x6c: {  	_ =	shalt  }
0x6d: {  	_ =	shalt  }
0x6e: {  	_ =	shalt  }
0x6f: {  	_ =	shalt  }
0x70: {  	_ =	shalt  }
0x71: {  	_ =	shalt  }
0x72: {  	_ =	shalt  }
0x73: {  	_ =	shalt  }
0x74: {  	_ =	shalt  }
0x75: {  	_ =	shalt  }
0x76: {  	_ =	shalt  }
0x77: {  	_ =	shalt  }
0x78: {  	_ =	shalt  }
0x79: {  	_ =	shalt  }
0x7a: {  	_ =	shalt  }
0x7b: {  	_ =	shalt  }
0x7c: {  	_ =	shalt  }
0x7d: {  	_ =	shalt  }
0x7e: {  	_ =	shalt  }
0x7f: {  	_ =	shalt  }
0x80: {  	_ =	shalt  }
0x81: {  	_ =	shalt  }
0x82: {  	_ =	shalt  }
0x83: {  	_ =	shalt  }
0x84: {  	_ =	shalt  }
0x85: {  	_ =	shalt  }
0x86: {  	_ =	shalt  }
0x87: {  	_ =	shalt  }
.Lfunc_end0:
.L_simem_size_0:
called_computation_lowered:
.L_overlay_start_0:
0x88: {  	s2 =	sld [smem:$0x3FD9]  }
0x89: {  	s3 =	sld [smem:$0x3FFE];
	_ =	sdelay $0x1  }
0x8a: {  	s1 =	srdreg.scid  }
0x8b: {  	s0 =	sand.u32 $0x1, s1  }
0x8c: {  	s17 =	sshll.u32 s0, $0xA;
	s2 =	sadd.s32 s3, s2  }
0x8d: {  	s2 =	sadd.s32 s2, s17  }
0x8e: {  	[smem:$0x3FC7] =	sst s2  }
0x8f: {  	_ = 	snop  }
0x90: {  	s2 =	sld [smem:$0x3FD0];
	(tm) =	ssettm $0x1  }
0x91: {  	s18 =	sld [smem:$0x3FFB];
	_ =	sdelay $0x3  }
0x92: {  	_ =	strace s18  }
0x93: {  	s3 =	sld [smem:$0x3FFC];
	_ =	sdelay $0x3  }
0x94: {  	_ =	strace s3  }
0x95: {  	s3 =	sld [smem:$0x3FFD];
	_ =	sdelay $0x3  }
0x96: {  	_ =	strace s3  }
0x97: {  	_ =	strace $0x8FFFFFFF  }
0x98: {  	s19 =	sld [smem:$0x3FDB];
	_ =	sdelay $0x1  }
0x99: {  	s4 =	simm.s32 $_scs_section_size  }
0x9a: {  	s5 =	simm.s32 $_size__tile_overlayer_lowered;
	s6 =	simm.s32 $_tile_overlayer_lowered  }
0x9b: {  	s22 =	simm.s32 $0x1BFF;
	s21 =	sshll.u32 s6, $0x1;
	s3 =	sadd.s32 s4, s19  }
0x9c: {  	s7 =	simm.s32 $0x0;
	s20 =	sshll.u32 s5, $0x1;
	s5 =	sadd.s32 s21, s3  }
0x9d: {  	[timem:s7], [sflag:s22] =	dma.local [hbm:s5], s20  }
0x9e: {  	_ =	swait.ge [sflag:s22], s20  }
0x9f: {  	s4 =	ssub.s32 $0x0, s20;
	[sflag:s22] =	ssyncset.done $0x0  }
0xa0: {  	[sflag:s22] =	ssyncadd.s32 s4;
	_ =	sdelay $0x1  }
0xa1: {  	s23 =	simm.s32 $0x1B8B  }
0xa2: {  	_ =	swait.ge [sflag:s23], $0x1  }
0xa3: {  	[sflag:s23] =	ssyncset.done $0x0  }
0xa4: {  	s25 =	simm.s32 $0x1B8E;
	s24 =	sld [smem:$0x3FFE];
	[sflag:s23] =	ssyncadd.s32 $0xFFFFFFFF  }
0xa5: {  	s26 =	simm.s32 $execute0_lowered;
	[smem:$0x3FD2] =	sst s25  }
0xa6: {  	s5 =	sshll.u32 s26, $0x1;
	_ =	strace $0x80000046;
	[dreg:$0x1] =	wrdreg $0xFFFFFFFF  }
0xa7: {  	s28 =	simm.s32 $_size_execute0_lowered;
	s3 =	sadd.s32 s3, s5;
	[dreg:$0x0] =	wrdreg $0x0  }
0xa8: {  	s5 =	sshll.u32 s28, $0x1;
	[dreg:$0x2] =	wrdreg s3  }
0xa9: {  	[dreg:$0x3] =	wrdreg s5  }
0xaa: {  	[dreg:$0x4] =	wrdreg $0xC0  }
0xab: {  	_ =	task [dreg:s7], $0x5FFFF  }
0xac: {  	[dreg:$0x1] =	wrdreg $0xFFFFFFFF  }
0xad: {  	[dreg:$0x0] =	wrdreg $0x60  }
0xae: {  	[dreg:$0x2] =	wrdreg s24  }
0xaf: {  	[dreg:$0x3] =	wrdreg s2  }
0xb0: {  	[dreg:$0x4] =	wrdreg $0x9  }
0xb1: {  	_ =	task.clear_ibuf [dreg:s7], $0x5FFFF;
	_ =	strace $0x90000046  }
0xb2: {  	s29 =	simm.s32 $0x9;
	_ =	strace $0x80000048  }
0xb3: {  	_ =	swait.ge [sflag:s29], $0x1  }
0xb4: {  	[sflag:s29] =	ssyncadd.s32 $0xFFFFFFFF  }
0xb5: {  	_ =	strace $0x90000048  }
0xb6: {  	_ =	sfence  }
0xb7: {  	s30 =	sld [smem:$0x0];
	_ =	sdelay $0x2  }
0xb8: {  	s31 =	sshll.u32 s1, $0xD;
	s1 =	sshrl.u32 s1, $0x2  }
0xb9: {  	s3 =	sand.u32 $0x4000, s31;
	s1 =	sadd.s32 s1, s30  }
0xba: {  	s0 =	sor.u32 s3, s0;
	s1 =	sshll.u32 s1, $0x11  }
0xbb: {  	s0 =	sor.u32 s1, s0  }
0xbc: {  	s0 =	sadd.s32 $0x8F2B, s0  }
0xbd: {  	[sflag:s0] =	ssyncadd.remote.s32 $0x1  }
0xbe: {  	_ =	sfence.sel $0xFFFF  }
0xbf: {  	[dreg:$0x0] =	wrdreg $0xFFFFFFFF;
	(pc) =	sbr.abs _section_cstart, $3  }
0xc0: {  	[dreg:$0x1] =	wrdreg $0xFFFFFFFF  }
0xc1: {  	_ =	task.clear_ibuf [dreg:s7], $0x2FFFF;
	_ =	strace $0x9FFFFFFF  }
0xc2: {  	(tm) =	ssettm $0x7FFFFFFF  }
0xc3: {  	_ =	shalt  }
tec
execute0_lowered:
.L_overlay_start_1:
0x0: {  	(tag) =	ssettag $0x1  }
0x1: {  	s3 =	rddreg [dreg:$0x0]  }
0x2: {  	s0 =	srdreg.scid;
	s5 =	rddreg [dreg:$0x1]  }
0x3: {  	s1 =	stileid.u32;
	s2 =	simm.s32 $0x0;
	s10 =	simm.s32 $0x1  }
0x4: {  	s11 =	simm.s32 $0x4000;
	s4 =	sand.u32 $0x1, s0;
	s0 =	rddreg [dreg:$0x2]  }
0x5: {  	s12 =	simm.s32 $0x0;
	[smem:$0x7FF] =	sst s2;
	s6 =	sshll.u32 s4, $0x4  }
0x6: {  	_ =	strace $0x80000047;
	s31 =	ssub.s32 $0x2, s4;
	s6 =	sor.u32 s1, s6  }
0x7: {  	s4 =	sshrl.u32 s31, $0x1;
	s7 =	sshll.u32 s6, $0xB;
	s8 =	smul.u32 $0x2800, s6  }
0x8: {  	s6 =	smul.u32 $0x500, s6;
	s9 =	ssub.s32 s31, s4;
	s7 =	sadd.s32 s7, s3  }
0x9: {  	s9 =	smax.u32 s9, $0x1;
	s8 =	sshrl.u32 s8, $0x3;
	s3 =	sadd.s32 $0x400, s7  }
0xa: {  	s4 =	sadd.s32 s5, s6;
	s8 =	sadd.s32 s5, s8;
	s5 =	sadd.s32 $0x10400, s7  }
0xb: {  	v0 =	vimm.f32 $0.0e+00;
	v1 =	vimm.f32 $1.000000000e+00;
	s7 =	sadd.s32 $0x20400, s7;
	s6 =	sadd.s32 $0xA000, s8;
	s8 =	sadd.s32 $0x14000, s8  }
.LBB2_1:
0xc: {  	[tilespmem:s2], [sflag:$0x1] =	stream.linear.gather [hbm4b:s3+s2], $0x3E80, $0x38;
	[tilespmem:$0x6800] =	vst v63  }
0xd: {  	_ =	swait.ge [sflag:s10], $0x3E80  }
0xe: {  	[sflag:s10] =	ssyncset.done $0x0  }
0xf: {  	s13 =	simm.s32 $0x0;
	[sflag:s10] =	ssyncadd.s32 $0xFFFFC180  }
.LBB2_2:
0x10: {  	p0 =	sne.s32 s13, $0x9FC0  }
.Ltmp0:
0x11: {  	_ = 	snop;
	(pc) =	sbr.rel @p0 .LBB2_2-.Ltmp0, $3  }
0x12: {  	_ =	sdelay $0x1  }
0x13: {  	s14 =	sshra.s32 s13, $0x2  }
0x14: {  	s13 =	sadd.s32 $0x40, s13;
	[tilespmem:s14+$0x4000] =	vst v0  }
0x15: {  	s13 =	simm.s32 $0x0  }
.LBB2_4:
0x16: {  	s14 =	sshra.s32 s13, $0x2  }
0x17: {  	v2 =	vld [tilespmem:s14+$0x0];
	_ =	sdelay $0x7  }
0x18: {  	[tilespmem:v2+s11+$0x0] =	vst.idx.add.f32.msk $0xffff, v1  }
0x19: {  	v2 =	vld [tilespmem:s14+$0x10];
	_ =	sdelay $0x7  }
0x1a: {  	[tilespmem:v2+s11+$0x0] =	vst.idx.add.f32.msk $0xffff, v1  }
0x1b: {  	v2 =	vld [tilespmem:s14+$0x20];
	_ =	sdelay $0x7  }
0x1c: {  	[tilespmem:v2+s11+$0x0] =	vst.idx.add.f32.msk $0xffff, v1  }
0x1d: {  	v2 =	vld [tilespmem:s14+$0x30];
	_ =	sdelay $0x7  }
0x1e: {  	[tilespmem:v2+s11+$0x0] =	vst.idx.add.f32.msk $0xffff, v1  }
0x1f: {  	v2 =	vld [tilespmem:s14+$0x40];
	_ =	sdelay $0x2  }
0x20: {  	p0 =	sne.s32 s13, $0xF800  }
.Ltmp1:
0x21: {  	_ = 	snop;
	(pc) =	sbr.rel @p0 .LBB2_4-.Ltmp1, $2  }
0x22: {  	_ =	sdelay $0x2  }
0x23: {  	s13 =	sadd.s32 $0x200, s13;
	[tilespmem:v2+s11+$0x0] =	vst.idx.add.f32.msk $0xffff, v1  }
0x24: {  	s13 =	simm.s32 $0x0  }
0x25: {  	[hbm4b:s4+s13] =	stream.linear.scatter [tilespmem:s11], [sflag:$0x1], $0x2800, $0x38;
	[tilespmem:$0x6800] =	vst v63  }
0x26: {  	_ =	swait.ge [sflag:s10], $0x2800  }
0x27: {  	[sflag:s10] =	ssyncset.done $0x0  }
0x28: {  	[sflag:s10] =	ssyncadd.s32 $0xFFFFD800  }
0x29: {  	[tilespmem:s13], [sflag:$0x1] =	stream.linear.gather [hbm4b:s5+s13], $0x3E80, $0x38;
	[tilespmem:$0x6800] =	vst v63  }
0x2a: {  	_ =	swait.ge [sflag:s10], $0x3E80  }
0x2b: {  	[sflag:s10] =	ssyncset.done $0x0  }
0x2c: {  	s14 =	simm.s32 $0x40;
	s15 =	simm.s32 $0x0;
	[sflag:s10] =	ssyncadd.s32 $0xFFFFC180  }
.LBB2_6:
0x2d: {  	p0 =	sne.s32 s14, $0x9FC0;
	[tilespmem:s15+$0x4000] =	vst v0;
	s15 =	smov.u32 s14;
	s14 =	sadd.s32 $0x40, s14  }
.Ltmp2:
0x2e: {  	(pc) =	sbr.rel @p0 .LBB2_6-.Ltmp2, $2  }
0x2f: {  	_ =	sdelay $0x2  }
0x30: {  	s15 =	sshra.s32 s15, $0x2  }
0x31: {  	[tilespmem:s15+$0x4000] =	vst v0  }
.LBB2_8:
0x32: {  	s14 =	sshra.s32 s13, $0x2  }
0x33: {  	v2 =	vld [tilespmem:s14+$0x0];
	_ =	sdelay $0x7  }
0x34: {  	[tilespmem:v2+s11+$0x0] =	vst.idx.add.f32.msk $0xffff, v1  }
0x35: {  	v2 =	vld [tilespmem:s14+$0x10];
	_ =	sdelay $0x7  }
0x36: {  	[tilespmem:v2+s11+$0x0] =	vst.idx.add.f32.msk $0xffff, v1  }
0x37: {  	v2 =	vld [tilespmem:s14+$0x20];
	_ =	sdelay $0x7  }
0x38: {  	[tilespmem:v2+s11+$0x0] =	vst.idx.add.f32.msk $0xffff, v1  }
0x39: {  	v2 =	vld [tilespmem:s14+$0x30];
	_ =	sdelay $0x7  }
0x3a: {  	[tilespmem:v2+s11+$0x0] =	vst.idx.add.f32.msk $0xffff, v1  }
0x3b: {  	v2 =	vld [tilespmem:s14+$0x40];
	_ =	sdelay $0x2  }
0x3c: {  	p0 =	sne.s32 s13, $0xF800  }
.Ltmp3:
0x3d: {  	_ = 	snop;
	(pc) =	sbr.rel @p0 .LBB2_8-.Ltmp3, $2  }
0x3e: {  	_ =	sdelay $0x2  }
0x3f: {  	s13 =	sadd.s32 $0x200, s13;
	[tilespmem:v2+s11+$0x0] =	vst.idx.add.f32.msk $0xffff, v1  }
0x40: {  	s13 =	simm.s32 $0x0  }
0x41: {  	[hbm4b:s6+s13] =	stream.linear.scatter [tilespmem:s11], [sflag:$0x1], $0x2800, $0x38;
	[tilespmem:$0x6800] =	vst v63  }
0x42: {  	_ =	swait.ge [sflag:s10], $0x2800  }
0x43: {  	[sflag:s10] =	ssyncset.done $0x0  }
0x44: {  	[sflag:s10] =	ssyncadd.s32 $0xFFFFD800  }
0x45: {  	[tilespmem:s13], [sflag:$0x1] =	stream.linear.gather [hbm4b:s7+s13], $0x3E80, $0x38;
	[tilespmem:$0x6800] =	vst v63  }
0x46: {  	_ =	swait.ge [sflag:s10], $0x3E80  }
0x47: {  	[sflag:s10] =	ssyncset.done $0x0  }
0x48: {  	s14 =	simm.s32 $0x40;
	s15 =	simm.s32 $0x0;
	[sflag:s10] =	ssyncadd.s32 $0xFFFFC180  }
.LBB2_10:
0x49: {  	p0 =	sne.s32 s14, $0x9FC0;
	[tilespmem:s15+$0x4000] =	vst v0;
	s15 =	smov.u32 s14;
	s14 =	sadd.s32 $0x40, s14  }
.Ltmp4:
0x4a: {  	(pc) =	sbr.rel @p0 .LBB2_10-.Ltmp4, $2  }
0x4b: {  	_ =	sdelay $0x2  }
0x4c: {  	s15 =	sshra.s32 s15, $0x2  }
0x4d: {  	[tilespmem:s15+$0x4000] =	vst v0  }
.LBB2_12:
0x4e: {  	s14 =	sshra.s32 s13, $0x2  }
0x4f: {  	v2 =	vld [tilespmem:s14+$0x0];
	_ =	sdelay $0x7  }
0x50: {  	[tilespmem:v2+s11+$0x0] =	vst.idx.add.f32.msk $0xffff, v1  }
0x51: {  	v2 =	vld [tilespmem:s14+$0x10];
	_ =	sdelay $0x7  }
0x52: {  	[tilespmem:v2+s11+$0x0] =	vst.idx.add.f32.msk $0xffff, v1  }
0x53: {  	v2 =	vld [tilespmem:s14+$0x20];
	_ =	sdelay $0x7  }
0x54: {  	[tilespmem:v2+s11+$0x0] =	vst.idx.add.f32.msk $0xffff, v1  }
0x55: {  	v2 =	vld [tilespmem:s14+$0x30];
	_ =	sdelay $0x7  }
0x56: {  	[tilespmem:v2+s11+$0x0] =	vst.idx.add.f32.msk $0xffff, v1  }
0x57: {  	v2 =	vld [tilespmem:s14+$0x40];
	_ =	sdelay $0x2  }
0x58: {  	p0 =	sne.s32 s13, $0xF800  }
.Ltmp5:
0x59: {  	_ = 	snop;
	(pc) =	sbr.rel @p0 .LBB2_12-.Ltmp5, $2  }
0x5a: {  	_ =	sdelay $0x2  }
0x5b: {  	s13 =	sadd.s32 $0x200, s13;
	[tilespmem:v2+s11+$0x0] =	vst.idx.add.f32.msk $0xffff, v1  }
0x5c: {  	s12 =	sadd.s32 $0x1, s12  }
0x5d: {  	p0 =	sne.s32 s12, s9  }
.Ltmp6:
0x5e: {  	_ = 	snop;
	(pc) =	sbr.rel @p0 .LBB2_1-.Ltmp6, $4  }
0x5f: {  	[hbm4b:s8+s2] =	stream.linear.scatter [tilespmem:s11], [sflag:$0x1], $0x2800, $0x38;
	[tilespmem:$0x6800] =	vst v63  }
0x60: {  	_ =	swait.ge [sflag:s10], $0x2800  }
0x61: {  	[sflag:s10] =	ssyncset.done $0x0  }
0x62: {  	[sflag:s10] =	ssyncadd.s32 $0xFFFFD800  }
0x63: {  	_ =	sfence.sel $0x180000  }
0x64: {  	[bflag:$0x0] =	sbarrier.arrive $0xFFFF  }
0x65: {  	p0 =	sne.s32 s1, $0x0;
	_ =	strace $0x90000047  }
0x66: {  	s0 =	sadd.s32 @!p0 $0x100000, s0;
	[bflag:$0x2] =	sbarrier.arrive $0xFFFF  }
0x67: {  	[sflag:s0] =	ssyncadd.tile.s32 @!p0 $0x1;
	_ =	shalt  }
.Lfunc_end2:
_tile_overlayer_lowered:
.L_overlay_start_2:
0x68: {  	(tag) =	ssettag $0x2  }
0x69: {  	s0 =	rddreg [dreg:$0x0];
	s2 =	stileid.u32  }
0x6a: {  	s1 =	rddreg [dreg:$0x1];
	p0 =	sne.s32 s2, $0x0  }
0x6b: {  	s3 =	rddreg [dreg:$0x2];
	[bflag:$0x3] =	sbarrier.arrive $0xFFFF;
	s2 =	simm.s32 @!p0 $0x1C01  }
0x6c: {  	[timem:s3], [sflag:s2] =	dma.local @!p0 [hbm:s0], s1  }
0x6d: {  	s0 =	simm.s32 @!p0 $0x1  }
0x6e: {  	_ =	swait.ge @!p0 [sflag:s0], s1  }
0x6f: {  	s1 =	ssub.s32 @!p0 $0x0, s1;
	[sflag:s0] =	ssyncset.done @!p0 $0x0  }
0x70: {  	[sflag:s0] =	ssyncadd.s32 @!p0 s1  }
0x71: {  	[bflag:$0x3] =	sbarrier.arrive $0xFFFF  }
0x72: {  	_ =	shalt  }

</sc_bundles>
